<compile_context>
chip_gen: v7x
topology: tpu7x:2x2x1
jax: 0.10.2.dev20260603
libtpu: 0.0.44.dev20260713+nightly
codegen_flags: <defaults>
</compile_context>

<pallas_src>
import jax
import jax.numpy as jnp
from jax import lax
from jax.experimental import pallas as pl
from jax.experimental.pallas import tpu as pltpu
from jax.experimental.pallas import tpu_sc as plsc

NUM_NUM = 13
NUM_CAT = 26
VOCAB = 100000
EMB = 32
BATCH = 16384
SLOTS = NUM_CAT + 1

NC = 2
NS = 16
NW = NC * NS
NPAIRS = NUM_CAT * EMB
PAIRS_PER_W = NPAIRS // NW
CHUNK = 2048
NCHUNK = BATCH // CHUNK
LANES = 16



def _mlp_body(x_ref, w1_ref, b1_ref, w2_ref, b2_ref, w3_ref, b3_ref, o_ref):
    tdot = lambda w, x: lax.dot_general(
        w, x, (((0,), (0,)), ((), ())), preferred_element_type=jnp.float32)
    h = jnp.maximum(tdot(w1_ref[...], x_ref[...]) + b1_ref[...], 0.0)
    h = jnp.maximum(tdot(w2_ref[...], h) + b2_ref[...], 0.0)
    o_ref[...] = jnp.maximum(tdot(w3_ref[...], h) + b3_ref[...], 0.0)


def _mlp_t(x_t, W1, b1, W2, b2, W3, b3):
    tb = 2048
    grid = (BATCH // tb,)
    return pl.pallas_call(
        _mlp_body,
        grid=grid,
        in_specs=[
            pl.BlockSpec((NUM_NUM, tb), lambda i: (0, i)),
            pl.BlockSpec((NUM_NUM, 512), lambda i: (0, 0)),
            pl.BlockSpec((512, 1), lambda i: (0, 0)),
            pl.BlockSpec((512, 256), lambda i: (0, 0)),
            pl.BlockSpec((256, 1), lambda i: (0, 0)),
            pl.BlockSpec((256, EMB), lambda i: (0, 0)),
            pl.BlockSpec((EMB, 1), lambda i: (0, 0)),
        ],
        out_specs=pl.BlockSpec((EMB, tb), lambda i: (0, i)),
        out_shape=jax.ShapeDtypeStruct((EMB, BATCH), jnp.float32),
    )(x_t, W1, b1.reshape(-1, 1), W2, b2.reshape(-1, 1),
      W3, b3.reshape(-1, 1))



def _sc_body(tables_t, cat_t, mlp_t, out, vocab_v, idx_v, oval_v):
    wid = lax.axis_index("s") * NC + lax.axis_index("c")
    p0 = wid * PAIRS_PER_W

    def pair_body(i, prev_t):
        p = p0 + i
        t = p // EMB
        e = p % EMB
        pltpu.sync_copy(tables_t.at[t, e], vocab_v)

        @pl.when(t != prev_t)
        def _():
            pltpu.sync_copy(cat_t.at[t], idx_v)

        def chunk_body(c, carry):
            @plsc.parallel_loop(0, CHUNK // LANES, unroll=8)
            def _(k):
                iv = idx_v[pl.ds(c * CHUNK + k * LANES, LANES)]
                oval_v[pl.ds(k * LANES, LANES)] = plsc.load_gather(
                    vocab_v, [iv])
            pltpu.sync_copy(oval_v, out.at[t + 1, e, pl.ds(c * CHUNK, CHUNK)])
            return carry

        lax.fori_loop(0, NCHUNK, chunk_body, 0)
        return t

    lax.fori_loop(0, PAIRS_PER_W, pair_body, jnp.int32(-1))

    def mlp_chunk(c, carry):
        pltpu.sync_copy(mlp_t.at[wid, pl.ds(c * CHUNK, CHUNK)], oval_v)
        pltpu.sync_copy(oval_v, out.at[0, wid, pl.ds(c * CHUNK, CHUNK)])
        return carry

    lax.fori_loop(0, NCHUNK, mlp_chunk, 0)


def _sc_assemble(tables_t, cat_t, mlp_t):
    mesh = plsc.VectorSubcoreMesh(core_axis_name="c", subcore_axis_name="s")
    run = pl.kernel(
        _sc_body,
        mesh=mesh,
        compiler_params=pltpu.CompilerParams(use_tc_tiling_on_sc=True,
                                             needs_layout_passes=False),
        out_type=jax.ShapeDtypeStruct((SLOTS, EMB, BATCH), jnp.float32),
        scratch_types=[
            pltpu.VMEM((VOCAB,), jnp.float32),
            pltpu.VMEM((BATCH,), jnp.int32),
            pltpu.VMEM((CHUNK,), jnp.float32),
        ],
    )
    return run(tables_t, cat_t, mlp_t)


def kernel(numerical_input, categorical_inputs, tables, W1, b1, W2, b2, W3, b3):
    cat_t = categorical_inputs.astype(jnp.int32).T
    tables_t = jnp.transpose(tables, (0, 2, 1))
    mlp_t = _mlp_t(numerical_input.T, W1, b1, W2, b2, W3, b3)
    out_t = _sc_assemble(tables_t, cat_t, mlp_t)
    bottom_output = jnp.transpose(out_t, (2, 0, 1))
    return (bottom_output, mlp_t.T)

# --- scband reference (transcript-rebuilt; emitter-appended) ---
"""Pipeline reference for scband-dlrm-bottom-57260503990931 (READ-ONLY COPY).

The authoritative reference and input builder live on the scoring server;
editing this copy changes nothing except your own understanding.
"""

import jax, jax.numpy as jnp
import numpy as np

NUM_NUM = 13
NUM_CAT = 26
VOCAB = 100000
EMB_DIM = 32
BATCH = 16384
MLP_SIZES = [512, 256, 32]


def setup_inputs(seed: int = 0) -> dict:
    key = jax.random.key(seed)
    ks = jax.random.split(key, 10)
    numerical_input = jax.random.normal(ks[0], (BATCH, NUM_NUM), dtype=jnp.float32)
    categorical_inputs = jax.random.randint(ks[1], (BATCH, NUM_CAT), 0, VOCAB, dtype=jnp.int64)
    # embedding tables, init uniform(-sqrt(1/size), sqrt(1/size)) per original
    bound = float(np.sqrt(1.0 / VOCAB))
    tables = jax.random.uniform(ks[2], (NUM_CAT, VOCAB, EMB_DIM), dtype=jnp.float32, minval=-bound, maxval=bound)
    # bottom MLP params (Linear + ReLU per layer)
    def lin_init(k, fan_in, fan_out):
        b = float(np.sqrt(1.0 / fan_in))
        k1, k2 = jax.random.split(k)
        W = jax.random.uniform(k1, (fan_in, fan_out), dtype=jnp.float32, minval=-b, maxval=b)
        bias = jax.random.uniform(k2, (fan_out,), dtype=jnp.float32, minval=-b, maxval=b)
        return W, bias
    W1, b1 = lin_init(ks[3], NUM_NUM, MLP_SIZES[0])
    W2, b2 = lin_init(ks[4], MLP_SIZES[0], MLP_SIZES[1])
    W3, b3 = lin_init(ks[5], MLP_SIZES[1], MLP_SIZES[2])
    return {"numerical_input": numerical_input, "categorical_inputs": categorical_inputs,
            "tables": tables, "W1": W1, "b1": b1, "W2": W2, "b2": b2, "W3": W3, "b3": b3}


def reference(numerical_input, categorical_inputs, tables, W1, b1, W2, b2, W3, b3):
    # bottom MLP: Linear+ReLU stack
    h = jax.nn.relu(numerical_input @ W1 + b1)
    h = jax.nn.relu(h @ W2 + b2)
    bottom_mlp_output = jax.nn.relu(h @ W3 + b3)  # [B, EMB_DIM]
    batch_size = categorical_inputs.shape[0]
    # multi-table embedding lookup: table i gathered with column i of indices
    field_ids = jnp.arange(NUM_CAT)[None, :]  # [1, NUM_CAT]
    emb = tables[field_ids, categorical_inputs]  # [B, NUM_CAT, EMB_DIM]
    bottom_output = jnp.concatenate([bottom_mlp_output.reshape(batch_size, 1, -1), emb], axis=1)
    return (bottom_output, bottom_mlp_output)

if __name__ == "__main__":
    import jax
    _d = setup_inputs()
    print(jax.jit(kernel)(*tuple(_d.values())))

</pallas_src>

<mosaic_0001>
#map = affine_map<(d0, d1) -> (0, 0, 0)>
#map1 = affine_map<(d0, d1) -> (0, 0)>
module attributes {stable_mosaic.version = 14 : i64} {
  func.func @_sc_body(%arg0: i32, %arg1: i32, %arg2: memref<26x32x100000xf32, #tpu.memory_space<hbm>>, %arg3: memref<26x16384xi32, #tpu.memory_space<hbm>>, %arg4: memref<32x16384xf32, #tpu.memory_space<hbm>>, %arg5: memref<27x32x16384xf32, #tpu.memory_space<hbm>>, %arg6: memref<100000xf32, #tpu.memory_space<vmem>>, %arg7: memref<16384xi32, #tpu.memory_space<vmem>>, %arg8: memref<2048xf32, #tpu.memory_space<vmem>>) attributes {dimension_semantics = [#tpu.dimension_semantics<core_parallel>, #tpu.dimension_semantics<subcore_parallel>], iteration_bounds = array<i64: 2, 16>, scalar_prefetch = 0 : i64, scratch_operands = 3 : i64, tpu.core_type = #tpu.core_type<sc_vector_subcore>, window_params = [{transform_indices = #map}, {transform_indices = #map1}, {transform_indices = #map1}, {transform_indices = #map}]} {
    %mul3A = arith.constant 2 : i32
    %mul3A_0 = arith.muli %arg1, %mul3A : i32
    %add3A = arith.addi %mul3A_0, %arg0 : i32
    %mul3A_1 = arith.constant 26 : i32
    %mul3A_2 = arith.muli %add3A, %mul3A_1 : i32
    %scan3A = arith.constant -1 : i32
    %scan3A_3 = arith.constant 0 : i32
    %scan3A_4 = arith.constant 26 : i32
    %scan3A_5 = arith.addi %scan3A_3, %scan3A_4 : i32
    %scan3A_6 = arith.constant 1 : i32
    %scan3A_7 = scf.for %scan3A_15 = %scan3A_3 to %scan3A_5 step %scan3A_6 iter_args(%scan3A_16 = %scan3A) -> (i32)  : i32 {
      %add3A_17 = arith.addi %mul3A_2, %scan3A_15 : i32
      %jit3A = arith.constant 32 : i32
      %div3A = arith.divsi %add3A_17, %jit3A : i32
      %sign3A = arith.constant 0 : i32
      %sign3A_18 = arith.cmpi sgt, %add3A_17, %sign3A : i32
      %sign3A_19 = arith.extui %sign3A_18 : i1 to i32
      %sign3A_20 = arith.constant 0 : i32
      %sign3A_21 = arith.cmpi slt, %add3A_17, %sign3A_20 : i32
      %sign3A_22 = arith.extui %sign3A_21 : i1 to i32
      %sign3A_23 = arith.subi %sign3A_19, %sign3A_22 : i32
      %sign3A_24 = arith.constant 0 : i32
      %sign3A_25 = arith.cmpi sgt, %jit3A, %sign3A_24 : i32
      %sign3A_26 = arith.extui %sign3A_25 : i1 to i32
      %sign3A_27 = arith.constant 0 : i32
      %sign3A_28 = arith.cmpi slt, %jit3A, %sign3A_27 : i32
      %sign3A_29 = arith.extui %sign3A_28 : i1 to i32
      %sign3A_30 = arith.subi %sign3A_26, %sign3A_29 : i32
      %ne3A = arith.cmpi ne, %sign3A_23, %sign3A_30 : i32
      %rem3A = arith.remsi %add3A_17, %jit3A : i32
      %ne3A_31 = arith.constant 0 : i32
      %ne3A_32 = arith.cmpi ne, %rem3A, %ne3A_31 : i32
      %and3A = arith.andi %ne3A, %ne3A_32 : i1
      %sub3A = arith.constant 1 : i32
      %sub3A_33 = arith.subi %div3A, %sub3A : i32
      %select_n3A = arith.select %and3A, %sub3A_33, %div3A : i32
      %jit3A_34 = arith.constant 32 : i32
      %eq3A = arith.constant 0 : i32
      %eq3A_35 = arith.cmpi eq, %jit3A_34, %eq3A : i32
      %jit3A_36 = arith.constant 1 : i32
      %select_n3A_37 = arith.select %eq3A_35, %jit3A_36, %jit3A_34 : i32
      %rem3A_38 = arith.remsi %add3A_17, %select_n3A_37 : i32
      %ne3A_39 = arith.constant 0 : i32
      %ne3A_40 = arith.cmpi ne, %rem3A_38, %ne3A_39 : i32
      %lt3A = arith.constant 0 : i32
      %lt3A_41 = arith.cmpi slt, %rem3A_38, %lt3A : i32
      %lt3A_42 = arith.constant 0 : i32
      %lt3A_43 = arith.cmpi slt, %select_n3A_37, %lt3A_42 : i32
      %ne3A_44 = arith.xori %lt3A_41, %lt3A_43 : i1
      %and3A_45 = arith.andi %ne3A_44, %ne3A_40 : i1
      %add3A_46 = arith.addi %rem3A_38, %select_n3A_37 : i32
      %select_n3A_47 = arith.select %and3A_45, %add3A_46, %rem3A_38 : i32
      "tpu.region"() ({
        %run_scoped3A = tpu.sem_alloc : memref<!tpu.dma_semaphore, #tpu.memory_space<semaphore_mem>>
        %dma_start3A = arith.constant 0 : i32
        %dma_start3A_56 = tpu.memref_slice %arg2[%select_n3A, %select_n3A_47, %dma_start3A] : memref<26x32x100000xf32, #tpu.memory_space<hbm>> -> memref<1x1x100000xf32, #tpu.memory_space<hbm>>
        %dma_start3A_57 = tpu.memref_squeeze %dma_start3A_56 : memref<1x1x100000xf32, #tpu.memory_space<hbm>> -> memref<100000xf32, #tpu.memory_space<hbm>>
        %dma_start3A_58 = arith.constant 0 : i32
        %dma_start3A_59 = tpu.memref_slice %arg2[%select_n3A, %select_n3A_47, %dma_start3A_58] : memref<26x32x100000xf32, #tpu.memory_space<hbm>> -> memref<1x1x100000xf32, #tpu.memory_space<hbm>>
        %dma_start3A_60 = tpu.memref_squeeze %dma_start3A_59 : memref<1x1x100000xf32, #tpu.memory_space<hbm>> -> memref<100000xf32, #tpu.memory_space<hbm>>
        tpu.enqueue_dma source(%dma_start3A_60 : memref<100000xf32, #tpu.memory_space<hbm>>) target(%arg6 : memref<100000xf32, #tpu.memory_space<vmem>>) target_semaphore(%run_scoped3A : memref<!tpu.dma_semaphore, #tpu.memory_space<semaphore_mem>>)
        %dma_wait3A = arith.constant 0 : i32
        %dma_wait3A_61 = tpu.memref_slice %arg2[%select_n3A, %select_n3A_47, %dma_wait3A] : memref<26x32x100000xf32, #tpu.memory_space<hbm>> -> memref<1x1x100000xf32, #tpu.memory_space<hbm>>
        %dma_wait3A_62 = tpu.memref_squeeze %dma_wait3A_61 : memref<1x1x100000xf32, #tpu.memory_space<hbm>> -> memref<100000xf32, #tpu.memory_space<hbm>>
        %dma_wait3A_63 = arith.constant 0 : i32
        %dma_wait3A_64 = tpu.memref_slice %arg2[%select_n3A, %select_n3A_47, %dma_wait3A_63] : memref<26x32x100000xf32, #tpu.memory_space<hbm>> -> memref<1x1x100000xf32, #tpu.memory_space<hbm>>
        %dma_wait3A_65 = tpu.memref_squeeze %dma_wait3A_64 : memref<1x1x100000xf32, #tpu.memory_space<hbm>> -> memref<100000xf32, #tpu.memory_space<hbm>>
        tpu.wait_dma2 semaphore(%run_scoped3A : memref<!tpu.dma_semaphore, #tpu.memory_space<semaphore_mem>>) src(%dma_wait3A_65 : memref<100000xf32, #tpu.memory_space<hbm>>) dst(%arg6 : memref<100000xf32, #tpu.memory_space<vmem>>)
        tpu.yield
      }) : () -> ()
      %ne3A_48 = arith.cmpi ne, %select_n3A, %scan3A_16 : i32
      %convert_element_type3A = arith.extui %ne3A_48 : i1 to i32
      %cond3A = arith.constant 0 : i32
      %cond3A_49 = arith.cmpi ne, %convert_element_type3A, %cond3A : i32
      scf.if %cond3A_49 {
        "tpu.region"() ({
          %run_scoped3A = tpu.sem_alloc : memref<!tpu.dma_semaphore, #tpu.memory_space<semaphore_mem>>
          %dma_start3A = arith.constant 0 : i32
          %dma_start3A_56 = tpu.memref_slice %arg3[%select_n3A, %dma_start3A] : memref<26x16384xi32, #tpu.memory_space<hbm>> -> memref<1x16384xi32, #tpu.memory_space<hbm>>
          %dma_start3A_57 = tpu.memref_squeeze %dma_start3A_56 : memref<1x16384xi32, #tpu.memory_space<hbm>> -> memref<16384xi32, #tpu.memory_space<hbm>>
          %dma_start3A_58 = arith.constant 0 : i32
          %dma_start3A_59 = tpu.memref_slice %arg3[%select_n3A, %dma_start3A_58] : memref<26x16384xi32, #tpu.memory_space<hbm>> -> memref<1x16384xi32, #tpu.memory_space<hbm>>
          %dma_start3A_60 = tpu.memref_squeeze %dma_start3A_59 : memref<1x16384xi32, #tpu.memory_space<hbm>> -> memref<16384xi32, #tpu.memory_space<hbm>>
          tpu.enqueue_dma source(%dma_start3A_60 : memref<16384xi32, #tpu.memory_space<hbm>>) target(%arg7 : memref<16384xi32, #tpu.memory_space<vmem>>) target_semaphore(%run_scoped3A : memref<!tpu.dma_semaphore, #tpu.memory_space<semaphore_mem>>)
          %dma_wait3A = arith.constant 0 : i32
          %dma_wait3A_61 = tpu.memref_slice %arg3[%select_n3A, %dma_wait3A] : memref<26x16384xi32, #tpu.memory_space<hbm>> -> memref<1x16384xi32, #tpu.memory_space<hbm>>
          %dma_wait3A_62 = tpu.memref_squeeze %dma_wait3A_61 : memref<1x16384xi32, #tpu.memory_space<hbm>> -> memref<16384xi32, #tpu.memory_space<hbm>>
          %dma_wait3A_63 = arith.constant 0 : i32
          %dma_wait3A_64 = tpu.memref_slice %arg3[%select_n3A, %dma_wait3A_63] : memref<26x16384xi32, #tpu.memory_space<hbm>> -> memref<1x16384xi32, #tpu.memory_space<hbm>>
          %dma_wait3A_65 = tpu.memref_squeeze %dma_wait3A_64 : memref<1x16384xi32, #tpu.memory_space<hbm>> -> memref<16384xi32, #tpu.memory_space<hbm>>
          tpu.wait_dma2 semaphore(%run_scoped3A : memref<!tpu.dma_semaphore, #tpu.memory_space<semaphore_mem>>) src(%dma_wait3A_65 : memref<16384xi32, #tpu.memory_space<hbm>>) dst(%arg7 : memref<16384xi32, #tpu.memory_space<vmem>>)
          tpu.yield
        }) : () -> ()
      } else {
      }
      %scan3A_50 = arith.constant 0 : i32
      %scan3A_51 = arith.constant 0 : i32
      %scan3A_52 = arith.constant 8 : i32
      %scan3A_53 = arith.addi %scan3A_51, %scan3A_52 : i32
      %scan3A_54 = arith.constant 1 : i32
      scf.for %scan3A_56 = %scan3A_51 to %scan3A_53 step %scan3A_54  : i32 {
        %parallel_loop3A = arith.constant 0 : i32
        %parallel_loop3A_57 = arith.constant 128 : i32
        %parallel_loop3A_58 = arith.constant 1 : i32
        scf.for %parallel_loop3A_63 = %parallel_loop3A to %parallel_loop3A_57 step %parallel_loop3A_58  : i32 {
          %parallel_loop3A_64 = arith.constant 2048 : i32
          %parallel_loop3A_65 = arith.muli %scan3A_56, %parallel_loop3A_64 : i32
          %parallel_loop3A_66 = arith.constant 16 : i32
          %parallel_loop3A_67 = arith.muli %parallel_loop3A_63, %parallel_loop3A_66 : i32
          %parallel_loop3A_68 = arith.addi %parallel_loop3A_65, %parallel_loop3A_67 : i32
          %parallel_loop3A_69 = arith.index_cast %parallel_loop3A_68 : i32 to index
          %parallel_loop3A_70 = tpu.vector_load %arg7[%parallel_loop3A_69] {strides = array<i32>} : memref<16384xi32, #tpu.memory_space<vmem>>, vector<16xi32>,
          %parallel_loop3A_71 = tpu.vector_load_idx %arg6[%parallel_loop3A_70] : memref<100000xf32, #tpu.memory_space<vmem>>[vector<16xi32>], vector<16xf32>,
          %parallel_loop3A_72 = arith.constant 16 : i32
          %parallel_loop3A_73 = arith.muli %parallel_loop3A_63, %parallel_loop3A_72 : i32
          %parallel_loop3A_74 = arith.index_cast %parallel_loop3A_73 : i32 to index
          %parallel_loop3A_75 = tpu.vector_load %arg8[%parallel_loop3A_74] {strides = array<i32>} : memref<2048xf32, #tpu.memory_space<vmem>>, vector<16xf32>,
          tpu.vector_store %arg8[%parallel_loop3A_74], %parallel_loop3A_71 {strides = array<i32>} : memref<2048xf32, #tpu.memory_space<vmem>>, vector<16xf32>,
        } {sc.loop_unroll_factor = 8 : i64, sc.parallel_access}
        %add3A_59 = arith.constant 1 : i32
        %add3A_60 = arith.addi %select_n3A, %add3A_59 : i32
        %mul3A_61 = arith.constant 2048 : i32
        %mul3A_62 = arith.muli %scan3A_56, %mul3A_61 : i32
        "tpu.region"() ({
          %run_scoped3A = tpu.sem_alloc : memref<!tpu.dma_semaphore, #tpu.memory_space<semaphore_mem>>
          %dma_start3A = tpu.memref_slice %arg5[%add3A_60, %select_n3A_47, %mul3A_62] : memref<27x32x16384xf32, #tpu.memory_space<hbm>> -> memref<1x1x2048xf32, #tpu.memory_space<hbm>>
          %dma_start3A_63 = tpu.memref_squeeze %dma_start3A : memref<1x1x2048xf32, #tpu.memory_space<hbm>> -> memref<2048xf32, #tpu.memory_space<hbm>>
          %dma_start3A_64 = tpu.memref_slice %arg5[%add3A_60, %select_n3A_47, %mul3A_62] : memref<27x32x16384xf32, #tpu.memory_space<hbm>> -> memref<1x1x2048xf32, #tpu.memory_space<hbm>>
          %dma_start3A_65 = tpu.memref_squeeze %dma_start3A_64 : memref<1x1x2048xf32, #tpu.memory_space<hbm>> -> memref<2048xf32, #tpu.memory_space<hbm>>
          tpu.enqueue_dma source(%arg8 : memref<2048xf32, #tpu.memory_space<vmem>>) target(%dma_start3A_65 : memref<2048xf32, #tpu.memory_space<hbm>>) target_semaphore(%run_scoped3A : memref<!tpu.dma_semaphore, #tpu.memory_space<semaphore_mem>>)
          %dma_wait3A = tpu.memref_slice %arg5[%add3A_60, %select_n3A_47, %mul3A_62] : memref<27x32x16384xf32, #tpu.memory_space<hbm>> -> memref<1x1x2048xf32, #tpu.memory_space<hbm>>
          %dma_wait3A_66 = tpu.memref_squeeze %dma_wait3A : memref<1x1x2048xf32, #tpu.memory_space<hbm>> -> memref<2048xf32, #tpu.memory_space<hbm>>
          %dma_wait3A_67 = tpu.memref_slice %arg5[%add3A_60, %select_n3A_47, %mul3A_62] : memref<27x32x16384xf32, #tpu.memory_space<hbm>> -> memref<1x1x2048xf32, #tpu.memory_space<hbm>>
          %dma_wait3A_68 = tpu.memref_squeeze %dma_wait3A_67 : memref<1x1x2048xf32, #tpu.memory_space<hbm>> -> memref<2048xf32, #tpu.memory_space<hbm>>
          tpu.wait_dma2 semaphore(%run_scoped3A : memref<!tpu.dma_semaphore, #tpu.memory_space<semaphore_mem>>) src(%arg8 : memref<2048xf32, #tpu.memory_space<vmem>>) dst(%dma_wait3A_68 : memref<2048xf32, #tpu.memory_space<hbm>>)
          tpu.yield
        }) : () -> ()
      }
      %scan3A_55 = arith.constant 8 : i32
      scf.yield %select_n3A : i32
    }
    %scan3A_8 = arith.constant 26 : i32
    %scan3A_9 = arith.constant 0 : i32
    %scan3A_10 = arith.constant 0 : i32
    %scan3A_11 = arith.constant 8 : i32
    %scan3A_12 = arith.addi %scan3A_10, %scan3A_11 : i32
    %scan3A_13 = arith.constant 1 : i32
    scf.for %scan3A_15 = %scan3A_10 to %scan3A_12 step %scan3A_13  : i32 {
      %mul3A_16 = arith.constant 2048 : i32
      %mul3A_17 = arith.muli %scan3A_15, %mul3A_16 : i32
      "tpu.region"() ({
        %run_scoped3A_20 = tpu.sem_alloc : memref<!tpu.dma_semaphore, #tpu.memory_space<semaphore_mem>>
        %dma_start3A = tpu.memref_slice %arg4[%add3A, %mul3A_17] : memref<32x16384xf32, #tpu.memory_space<hbm>> -> memref<1x2048xf32, #tpu.memory_space<hbm>>
        %dma_start3A_21 = tpu.memref_squeeze %dma_start3A : memref<1x2048xf32, #tpu.memory_space<hbm>> -> memref<2048xf32, #tpu.memory_space<hbm>>
        %dma_start3A_22 = tpu.memref_slice %arg4[%add3A, %mul3A_17] : memref<32x16384xf32, #tpu.memory_space<hbm>> -> memref<1x2048xf32, #tpu.memory_space<hbm>>
        %dma_start3A_23 = tpu.memref_squeeze %dma_start3A_22 : memref<1x2048xf32, #tpu.memory_space<hbm>> -> memref<2048xf32, #tpu.memory_space<hbm>>
        tpu.enqueue_dma source(%dma_start3A_23 : memref<2048xf32, #tpu.memory_space<hbm>>) target(%arg8 : memref<2048xf32, #tpu.memory_space<vmem>>) target_semaphore(%run_scoped3A_20 : memref<!tpu.dma_semaphore, #tpu.memory_space<semaphore_mem>>)
        %dma_wait3A = tpu.memref_slice %arg4[%add3A, %mul3A_17] : memref<32x16384xf32, #tpu.memory_space<hbm>> -> memref<1x2048xf32, #tpu.memory_space<hbm>>
        %dma_wait3A_24 = tpu.memref_squeeze %dma_wait3A : memref<1x2048xf32, #tpu.memory_space<hbm>> -> memref<2048xf32, #tpu.memory_space<hbm>>
        %dma_wait3A_25 = tpu.memref_slice %arg4[%add3A, %mul3A_17] : memref<32x16384xf32, #tpu.memory_space<hbm>> -> memref<1x2048xf32, #tpu.memory_space<hbm>>
        %dma_wait3A_26 = tpu.memref_squeeze %dma_wait3A_25 : memref<1x2048xf32, #tpu.memory_space<hbm>> -> memref<2048xf32, #tpu.memory_space<hbm>>
        tpu.wait_dma2 semaphore(%run_scoped3A_20 : memref<!tpu.dma_semaphore, #tpu.memory_space<semaphore_mem>>) src(%dma_wait3A_26 : memref<2048xf32, #tpu.memory_space<hbm>>) dst(%arg8 : memref<2048xf32, #tpu.memory_space<vmem>>)
        tpu.yield
      }) : () -> ()
      %mul3A_18 = arith.constant 2048 : i32
      %mul3A_19 = arith.muli %scan3A_15, %mul3A_18 : i32
      %run_scoped3A = arith.constant 0 : i32
      "tpu.region"() ({
        %run_scoped3A_20 = tpu.sem_alloc : memref<!tpu.dma_semaphore, #tpu.memory_space<semaphore_mem>>
        %dma_start3A = tpu.memref_slice %arg5[%run_scoped3A, %add3A, %mul3A_19] : memref<27x32x16384xf32, #tpu.memory_space<hbm>> -> memref<1x1x2048xf32, #tpu.memory_space<hbm>>
        %dma_start3A_21 = tpu.memref_squeeze %dma_start3A : memref<1x1x2048xf32, #tpu.memory_space<hbm>> -> memref<2048xf32, #tpu.memory_space<hbm>>
        %dma_start3A_22 = tpu.memref_slice %arg5[%run_scoped3A, %add3A, %mul3A_19] : memref<27x32x16384xf32, #tpu.memory_space<hbm>> -> memref<1x1x2048xf32, #tpu.memory_space<hbm>>
        %dma_start3A_23 = tpu.memref_squeeze %dma_start3A_22 : memref<1x1x2048xf32, #tpu.memory_space<hbm>> -> memref<2048xf32, #tpu.memory_space<hbm>>
        tpu.enqueue_dma source(%arg8 : memref<2048xf32, #tpu.memory_space<vmem>>) target(%dma_start3A_23 : memref<2048xf32, #tpu.memory_space<hbm>>) target_semaphore(%run_scoped3A_20 : memref<!tpu.dma_semaphore, #tpu.memory_space<semaphore_mem>>)
        %dma_wait3A = tpu.memref_slice %arg5[%run_scoped3A, %add3A, %mul3A_19] : memref<27x32x16384xf32, #tpu.memory_space<hbm>> -> memref<1x1x2048xf32, #tpu.memory_space<hbm>>
        %dma_wait3A_24 = tpu.memref_squeeze %dma_wait3A : memref<1x1x2048xf32, #tpu.memory_space<hbm>> -> memref<2048xf32, #tpu.memory_space<hbm>>
        %dma_wait3A_25 = tpu.memref_slice %arg5[%run_scoped3A, %add3A, %mul3A_19] : memref<27x32x16384xf32, #tpu.memory_space<hbm>> -> memref<1x1x2048xf32, #tpu.memory_space<hbm>>
        %dma_wait3A_26 = tpu.memref_squeeze %dma_wait3A_25 : memref<1x1x2048xf32, #tpu.memory_space<hbm>> -> memref<2048xf32, #tpu.memory_space<hbm>>
        tpu.wait_dma2 semaphore(%run_scoped3A_20 : memref<!tpu.dma_semaphore, #tpu.memory_space<semaphore_mem>>) src(%arg8 : memref<2048xf32, #tpu.memory_space<vmem>>) dst(%dma_wait3A_26 : memref<2048xf32, #tpu.memory_space<hbm>>)
        tpu.yield
      }) : () -> ()
    }
    %scan3A_14 = arith.constant 8 : i32
    return
  }
}

module attributes {stable_mosaic.version = 14 : i64} {
  func.func @_mlp_body(%arg0: i32, %arg1: memref<13x2048xf32, #tpu.memory_space<vmem>>, %arg2: memref<13x512xf32, #tpu.memory_space<vmem>>, %arg3: memref<512x1xf32, #tpu.memory_space<vmem>>, %arg4: memref<512x256xf32, #tpu.memory_space<vmem>>, %arg5: memref<256x1xf32, #tpu.memory_space<vmem>>, %arg6: memref<256x32xf32, #tpu.memory_space<vmem>>, %arg7: memref<32x1xf32, #tpu.memory_space<vmem>>, %arg8: memref<32x2048xf32, #tpu.memory_space<vmem>>) attributes {dimension_semantics = [#tpu.dimension_semantics<arbitrary>], iteration_bounds = array<i64: 8>, scalar_prefetch = 0 : i64, scratch_operands = 0 : i64, tpu.core_type = #tpu.core_type<tc>, window_params = [{transform_indices = @transform_0, window_bounds = array<i64: 13, 2048>}, {pipeline_mode = #tpu.pipeline_mode<synchronous>, transform_indices = @transform_1, window_bounds = array<i64: 13, 512>}, {pipeline_mode = #tpu.pipeline_mode<synchronous>, transform_indices = @transform_2, window_bounds = array<i64: 512, 1>}, {pipeline_mode = #tpu.pipeline_mode<synchronous>, transform_indices = @transform_3, window_bounds = array<i64: 512, 256>}, {pipeline_mode = #tpu.pipeline_mode<synchronous>, transform_indices = @transform_4, window_bounds = array<i64: 256, 1>}, {pipeline_mode = #tpu.pipeline_mode<synchronous>, transform_indices = @transform_5, window_bounds = array<i64: 256, 32>}, {pipeline_mode = #tpu.pipeline_mode<synchronous>, transform_indices = @transform_6, window_bounds = array<i64: 32, 1>}, {transform_indices = @transform_7, window_bounds = array<i64: 32, 2048>}]} {
    %get3A = arith.constant 0 : index
    %get3A_0 = arith.constant 0 : index
    %get3A_1 = vector.load %arg2[%get3A, %get3A_0] : memref<13x512xf32, #tpu.memory_space<vmem>>, vector<13x512xf32>
    %get3A_2 = arith.constant 0 : index
    %get3A_3 = arith.constant 0 : index
    %get3A_4 = vector.load %arg1[%get3A_2, %get3A_3] : memref<13x2048xf32, #tpu.memory_space<vmem>>, vector<13x2048xf32>
    %dot_general3A = arith.constant dense<0.000000e+00> : vector<512x2048xf32>
    %dot_general3A_5 = tpu.matmul %get3A_1, %get3A_4, %dot_general3A {dimension_numbers = #tpu.dot_dimension_numbers<[0], [0], [1], [1], [0, 1, 1, 1], [], []>, transpose_lhs_hint = false} : vector<13x512xf32>, vector<13x2048xf32>, vector<512x2048xf32> -> vector<512x2048xf32>
    %get3A_6 = arith.constant 0 : index
    %get3A_7 = arith.constant 0 : index
    %get3A_8 = vector.load %arg3[%get3A_6, %get3A_7] : memref<512x1xf32, #tpu.memory_space<vmem>>, vector<512x1xf32>
    %add3A = vector.broadcast %get3A_8 : vector<512x1xf32> to vector<512x2048xf32>
    %add3A_9 = arith.addf %dot_general3A_5, %add3A : vector<512x2048xf32>
    %max3A = arith.constant 0.000000e+00 : f32
    %max3A_10 = vector.broadcast %max3A : f32 to vector<512x2048xf32>
    %max3A_11 = arith.maximumf %add3A_9, %max3A_10 : vector<512x2048xf32>
    %get3A_12 = arith.constant 0 : index
    %get3A_13 = arith.constant 0 : index
    %get3A_14 = vector.load %arg4[%get3A_12, %get3A_13] : memref<512x256xf32, #tpu.memory_space<vmem>>, vector<512x256xf32>
    %dot_general3A_15 = arith.constant dense<0.000000e+00> : vector<256x2048xf32>
    %dot_general3A_16 = tpu.matmul %get3A_14, %max3A_11, %dot_general3A_15 {dimension_numbers = #tpu.dot_dimension_numbers<[0], [0], [1], [1], [0, 1, 1, 1], [], []>, transpose_lhs_hint = false} : vector<512x256xf32>, vector<512x2048xf32>, vector<256x2048xf32> -> vector<256x2048xf32>
    %get3A_17 = arith.constant 0 : index
    %get3A_18 = arith.constant 0 : index
    %get3A_19 = vector.load %arg5[%get3A_17, %get3A_18] : memref<256x1xf32, #tpu.memory_space<vmem>>, vector<256x1xf32>
    %add3A_20 = vector.broadcast %get3A_19 : vector<256x1xf32> to vector<256x2048xf32>
    %add3A_21 = arith.addf %dot_general3A_16, %add3A_20 : vector<256x2048xf32>
    %max3A_22 = arith.constant 0.000000e+00 : f32
    %max3A_23 = vector.broadcast %max3A_22 : f32 to vector<256x2048xf32>
    %max3A_24 = arith.maximumf %add3A_21, %max3A_23 : vector<256x2048xf32>
    %get3A_25 = arith.constant 0 : index
    %get3A_26 = arith.constant 0 : index
    %get3A_27 = vector.load %arg6[%get3A_25, %get3A_26] : memref<256x32xf32, #tpu.memory_space<vmem>>, vector<256x32xf32>
    %dot_general3A_28 = arith.constant dense<0.000000e+00> : vector<32x2048xf32>
    %dot_general3A_29 = tpu.matmul %get3A_27, %max3A_24, %dot_general3A_28 {dimension_numbers = #tpu.dot_dimension_numbers<[0], [0], [1], [1], [0, 1, 1, 1], [], []>, transpose_lhs_hint = false} : vector<256x32xf32>, vector<256x2048xf32>, vector<32x2048xf32> -> vector<32x2048xf32>
    %get3A_30 = arith.constant 0 : index
    %get3A_31 = arith.constant 0 : index
    %get3A_32 = vector.load %arg7[%get3A_30, %get3A_31] : memref<32x1xf32, #tpu.memory_space<vmem>>, vector<32x1xf32>
    %add3A_33 = vector.broadcast %get3A_32 : vector<32x1xf32> to vector<32x2048xf32>
    %add3A_34 = arith.addf %dot_general3A_29, %add3A_33 : vector<32x2048xf32>
    %max3A_35 = arith.constant 0.000000e+00 : f32
    %max3A_36 = vector.broadcast %max3A_35 : f32 to vector<32x2048xf32>
    %max3A_37 = arith.maximumf %add3A_34, %max3A_36 : vector<32x2048xf32>
    %swap3A = arith.constant 0 : index
    %swap3A_38 = arith.constant 0 : index
    %swap3A_39 = vector.load %arg8[%swap3A, %swap3A_38] : memref<32x2048xf32, #tpu.memory_space<vmem>>, vector<32x2048xf32>
    tpu.vector_store %arg8[%swap3A, %swap3A_38], %max3A_37 {strides = array<i32>} : memref<32x2048xf32, #tpu.memory_space<vmem>>, vector<32x2048xf32>,
    return
  }
  func.func @transform_0(%arg0: i32) -> (i32, i32) {
    %c0_i32 = arith.constant 0 : i32
    %c0_i32_0 = arith.constant 0 : i32
    return %c0_i32, %arg0 : i32, i32
  }
  func.func @transform_1(%arg0: i32) -> (i32, i32) {
    %c0_i32 = arith.constant 0 : i32
    %c0_i32_0 = arith.constant 0 : i32
    %c0_i32_1 = arith.constant 0 : i32
    return %c0_i32, %c0_i32_0 : i32, i32
  }
  func.func @transform_2(%arg0: i32) -> (i32, i32) {
    %c0_i32 = arith.constant 0 : i32
    %c0_i32_0 = arith.constant 0 : i32
    %c0_i32_1 = arith.constant 0 : i32
    return %c0_i32, %c0_i32_0 : i32, i32
  }
  func.func @transform_3(%arg0: i32) -> (i32, i32) {
    %c0_i32 = arith.constant 0 : i32
    %c0_i32_0 = arith.constant 0 : i32
    %c0_i32_1 = arith.constant 0 : i32
    return %c0_i32, %c0_i32_0 : i32, i32
  }
  func.func @transform_4(%arg0: i32) -> (i32, i32) {
    %c0_i32 = arith.constant 0 : i32
    %c0_i32_0 = arith.constant 0 : i32
    %c0_i32_1 = arith.constant 0 : i32
    return %c0_i32, %c0_i32_0 : i32, i32
  }
  func.func @transform_5(%arg0: i32) -> (i32, i32) {
    %c0_i32 = arith.constant 0 : i32
    %c0_i32_0 = arith.constant 0 : i32
    %c0_i32_1 = arith.constant 0 : i32
    return %c0_i32, %c0_i32_0 : i32, i32
  }
  func.func @transform_6(%arg0: i32) -> (i32, i32) {
    %c0_i32 = arith.constant 0 : i32
    %c0_i32_0 = arith.constant 0 : i32
    %c0_i32_1 = arith.constant 0 : i32
    return %c0_i32, %c0_i32_0 : i32, i32
  }
  func.func @transform_7(%arg0: i32) -> (i32, i32) {
    %c0_i32 = arith.constant 0 : i32
    %c0_i32_0 = arith.constant 0 : i32
    return %c0_i32, %arg0 : i32, i32
  }
}

</mosaic_0001>

<sc_bundles>
// kernel: kernel.4.cloned.1.call-start
scs
__scs_entry_jumppad:
0x0: {  	(pc) =	sbr.rel $0x88, $3  }
0x1: {  	(tag) =	ssettag $0x0;
	lr =	simm.s32 $0x1  }
0x2: {  	[smem:$0x3F98] =	sst lr;
	_ =	strace $0xD0000000  }
0x3: {  	_ = 	snop  }
0x4: {  	_ = 	snop  }
0x5: {  	_ = 	snop  }
0x6: {  	_ = 	snop  }
0x7: {  	_ = 	snop  }
__scs_overlays_trampoline_lowered:
0x8: {  	[smem:$0x3FA7] =	sst s0  }
0x9: {  	[smem:$0x3FA8] =	sst s1  }
0xa: {  	[smem:$0x3FA9] =	sst s2  }
0xb: {  	[smem:$0x3FAA] =	sst s3  }
0xc: {  	[smem:$0x3FAB] =	sst s4  }
0xd: {  	[smem:$0x3FAC] =	sst s5  }
0xe: {  	[smem:$0x3FAD] =	sst s6  }
0xf: {  	[smem:$0x3FAE] =	sst s7  }
0x10: {  	[smem:$0x3FAF] =	sst s8  }
0x11: {  	[smem:$0x3FB0] =	sst s9;
	s0 =	simm.s32 @!p0 $0x0  }
0x12: {  	s1 =	sld [smem:$0x3F96];
	s0 =	simm.s32 @p0 $0x1  }
0x13: {  	[smem:$0x3FB1] =	sst s0;
	s0 =	simm.s32 @!p1 $0x0  }
0x14: {  	s2 =	sld [smem:$0x3F95];
	s0 =	simm.s32 @p1 $0x1  }
0x15: {  	[smem:$0x3FB2] =	sst s0;
	s0 =	simm.s32 @!p2 $0x0  }
0x16: {  	s3 =	sld [smem:$0x3FDB];
	s0 =	simm.s32 @p2 $0x1  }
0x17: {  	s4 =	simm.s32 $0x1BF5;
	[smem:$0x3FB4] =	sst s0  }
0x18: {  	s0 =	sld [smem:$0x3F97];
	_ =	swait.ge [sflag:s4], $0x0  }
0x19: {  	s7 =	sld [smem:$0x3F98]  }
0x1a: {  	s8 =	sadd.s32 $0xFFFFE003, lr  }
0x1b: {  	s9 =	sadd.s32 $0xFFFFFEF7, lr;
	s5 =	simm.s32 $0xFFFFFFFF;
	p2 =	slt.u32 s8, $0xFFFFF086  }
0x1c: {  	p1 =	slt.u32 s9, $0xF7A;
	s5 =	simm.s32 @!p2 $0x0  }
0x1d: {  	s5 =	simm.s32 @p1 $0x1;
	p0 =	seq.s32 s7, s2  }
0x1e: {  	s7 =	smul.u32 @!p0 $0xF7A, s2;
	p2 =	seq.s32 @!p0 s5, $0x0  }
0x1f: {  	s9 =	smul.u32 $0xF7A, s1;
	s8 =	simm.s32 @!p0 $0x1BF5;
	p2 =	por !p2, p0  }
0x20: {  	[sflag:s8] =	ssyncset.s32 @!p0 $0xFFFFF086;
	s6 =	sadd.s32 @!p0 s3, s7;
	s7 =	simm.s32 @!p0 $0x108  }
0x21: {  	s3 =	sadd.s32 s3, s9;
	s6 =	sadd.s32 @!p0 $0x88, s6;
	s7 =	simm.s32 @p2 $0x1082  }
0x22: {  	[simem:s7], [sflag:s8] =	dma.local @!p0 [hbm:s6], $0xF7A  }
0x23: {  	s9 =	sor.u32 $0xD0000000, s2;
	s6 =	simm.s32 $0x108;
	_ =	swait.ge @!p0 [sflag:s8], $0x0  }
0x24: {  	s3 =	sadd.s32 $0x88, s3;
	s6 =	simm.s32 @!p1 $0x1082;
	[sflag:s4] =	ssyncset.s32 $0xFFFFF086  }
0x25: {  	[simem:s6], [sflag:s4] =	dma.local [hbm:s3], $0xF7A  }
0x26: {  	[smem:$0x3F98] =	sst s1;
	(tag) =	ssettag s2;
	_ =	strace s9  }
0x27: {  	s1 =	sld [smem:$0x3FA8]  }
0x28: {  	s2 =	sld [smem:$0x3FA9]  }
0x29: {  	s4 =	sld [smem:$0x3FAB]  }
0x2a: {  	p0 =	seq.s32 s5, $0x0;
	s5 =	sld [smem:$0x3FAC]  }
0x2b: {  	s6 =	sld [smem:$0x3FAD]  }
0x2c: {  	s7 =	sld [smem:$0x3FAE]  }
0x2d: {  	s3 =	simm.s32 $0x108;
	s8 =	sld [smem:$0x3FAF]  }
0x2e: {  	s3 =	simm.s32 @!p0 $0x1082;
	s9 =	sld [smem:$0x3FB0]  }
0x2f: {  	lr =	sadd.s32 s0, s3;
	s0 =	sld [smem:$0x3FA7]  }
0x30: {  	s3 =	sld [smem:$0x3FAA]  }
0x31: {  	[smem:$0x3FB3] =	sst s10  }
0x32: {  	s10 =	sld [smem:$0x3FB1];
	_ =	sdelay $0x3  }
0x33: {  	p0 =	seq.s32 s10, $0x1;
	s10 =	sld [smem:$0x3FB3];
	_ =	sdelay $0x3  }
0x34: {  	[smem:$0x3FB3] =	sst s10  }
0x35: {  	s10 =	sld [smem:$0x3FB2];
	_ =	sdelay $0x3  }
0x36: {  	p1 =	seq.s32 s10, $0x1;
	s10 =	sld [smem:$0x3FB3];
	_ =	sdelay $0x3  }
0x37: {  	[smem:$0x3FB3] =	sst s10  }
0x38: {  	s10 =	sld [smem:$0x3FB4]  }
0x39: {  	_ = 	snop;
	(pc) =	sbr.ind lr, $3  }
0x3a: {  	_ = 	snop  }
0x3b: {  	_ = 	snop  }
0x3c: {  	p2 =	seq.s32 s10, $0x1;
	s10 =	sld [smem:$0x3FB3]  }
0x3d: {  	_ =	shalt  }
0x3e: {  	_ =	shalt  }
0x3f: {  	_ =	shalt  }
0x40: {  	_ =	shalt  }
0x41: {  	_ =	shalt  }
0x42: {  	_ =	shalt  }
0x43: {  	_ =	shalt  }
0x44: {  	_ =	shalt  }
0x45: {  	_ =	shalt  }
0x46: {  	_ =	shalt  }
0x47: {  	_ =	shalt  }
0x48: {  	_ =	shalt  }
0x49: {  	_ =	shalt  }
0x4a: {  	_ =	shalt  }
0x4b: {  	_ =	shalt  }
0x4c: {  	_ =	shalt  }
0x4d: {  	_ =	shalt  }
0x4e: {  	_ =	shalt  }
0x4f: {  	_ =	shalt  }
0x50: {  	_ =	shalt  }
0x51: {  	_ =	shalt  }
0x52: {  	_ =	shalt  }
0x53: {  	_ =	shalt  }
0x54: {  	_ =	shalt  }
0x55: {  	_ =	shalt  }
0x56: {  	_ =	shalt  }
0x57: {  	_ =	shalt  }
0x58: {  	_ =	shalt  }
0x59: {  	_ =	shalt  }
0x5a: {  	_ =	shalt  }
0x5b: {  	_ =	shalt  }
0x5c: {  	_ =	shalt  }
0x5d: {  	_ =	shalt  }
0x5e: {  	_ =	shalt  }
0x5f: {  	_ =	shalt  }
0x60: {  	_ =	shalt  }
0x61: {  	_ =	shalt  }
0x62: {  	_ =	shalt  }
0x63: {  	_ =	shalt  }
0x64: {  	_ =	shalt  }
0x65: {  	_ =	shalt  }
0x66: {  	_ =	shalt  }
0x67: {  	_ =	shalt  }
0x68: {  	_ =	shalt  }
0x69: {  	_ =	shalt  }
0x6a: {  	_ =	shalt  }
0x6b: {  	_ =	shalt  }
0x6c: {  	_ =	shalt  }
0x6d: {  	_ =	shalt  }
0x6e: {  	_ =	shalt  }
0x6f: {  	_ =	shalt  }
0x70: {  	_ =	shalt  }
0x71: {  	_ =	shalt  }
0x72: {  	_ =	shalt  }
0x73: {  	_ =	shalt  }
0x74: {  	_ =	shalt  }
0x75: {  	_ =	shalt  }
0x76: {  	_ =	shalt  }
0x77: {  	_ =	shalt  }
0x78: {  	_ =	shalt  }
0x79: {  	_ =	shalt  }
0x7a: {  	_ =	shalt  }
0x7b: {  	_ =	shalt  }
0x7c: {  	_ =	shalt  }
0x7d: {  	_ =	shalt  }
0x7e: {  	_ =	shalt  }
0x7f: {  	_ =	shalt  }
0x80: {  	_ =	shalt  }
0x81: {  	_ =	shalt  }
0x82: {  	_ =	shalt  }
0x83: {  	_ =	shalt  }
0x84: {  	_ =	shalt  }
0x85: {  	_ =	shalt  }
0x86: {  	_ =	shalt  }
0x87: {  	_ =	shalt  }
.Lfunc_end0:
.L_simem_size_0:
called_computation_lowered:
.L_overlay_start_0:
0x88: {  	s2 =	sld [smem:$0x3FD9]  }
0x89: {  	s3 =	sld [smem:$0x3FFE];
	_ =	sdelay $0x1  }
0x8a: {  	s1 =	srdreg.scid  }
0x8b: {  	s0 =	sand.u32 $0x1, s1  }
0x8c: {  	s15 =	sshll.u32 s0, $0xA;
	s2 =	sadd.s32 s3, s2  }
0x8d: {  	s2 =	sadd.s32 s2, s15  }
0x8e: {  	[smem:$0x3FBF] =	sst s2  }
0x8f: {  	_ = 	snop  }
0x90: {  	s2 =	sld [smem:$0x3FD0];
	_ =	sdelay $0x1  }
0x91: {  	s16 =	sld [smem:$0x3FC8]  }
0x92: {  	s5 =	simm.s32 $0xA;
	s6 =	simm.s32 $0x10;
	s4 =	sld [smem:$0x3FC7]  }
0x93: {  	[smem:s6], [sflag:s5] =	dma.local [hbm:s2], $0x1  }
0x94: {  	_ =	swait.eq [sflag:s5], $0x1  }
0x95: {  	[sflag:s5] =	ssyncset.done $0x0  }
0x96: {  	s17 =	sld [smem:$0x10];
	[sflag:s5] =	ssyncadd.s32 $0xFFFFFFFF  }
0x97: {  	s18 =	sld [smem:$0x11];
	(tm) =	ssettm $0x1  }
0x98: {  	s19 =	sld [smem:$0x3FFB];
	_ =	sdelay $0x3  }
0x99: {  	_ =	strace s19  }
0x9a: {  	s6 =	sld [smem:$0x3FFC];
	_ =	sdelay $0x3  }
0x9b: {  	_ =	strace s6  }
0x9c: {  	s6 =	sld [smem:$0x3FFD];
	_ =	sdelay $0x3  }
0x9d: {  	_ =	strace s6  }
0x9e: {  	_ =	strace $0x8FFFFFFF  }
0x9f: {  	s20 =	sld [smem:$0x3FDB];
	_ =	sdelay $0x1  }
0xa0: {  	s7 =	simm.s32 $_scs_section_size  }
0xa1: {  	s8 =	simm.s32 $_size__tile_overlayer_lowered;
	s9 =	simm.s32 $_tile_overlayer_lowered  }
0xa2: {  	s23 =	simm.s32 $0x1BFF;
	s22 =	sshll.u32 s9, $0x1;
	s6 =	sadd.s32 s7, s20  }
0xa3: {  	s10 =	simm.s32 $0x0;
	s21 =	sshll.u32 s8, $0x1;
	s8 =	sadd.s32 s22, s6  }
0xa4: {  	[timem:s10], [sflag:s23] =	dma.local [hbm:s8], s21  }
0xa5: {  	_ =	swait.ge [sflag:s23], s21  }
0xa6: {  	s7 =	ssub.s32 $0x0, s21;
	[sflag:s23] =	ssyncset.done $0x0  }
0xa7: {  	[sflag:s23] =	ssyncadd.s32 s7;
	_ =	sdelay $0x1  }
0xa8: {  	s24 =	simm.s32 $0x1B8B  }
0xa9: {  	_ =	swait.ge [sflag:s24], $0x1  }
0xaa: {  	[sflag:s24] =	ssyncset.done $0x0  }
0xab: {  	s25 =	simm.s32 $0x1B8E;
	[sflag:s24] =	ssyncadd.s32 $0xFFFFFFFF  }
0xac: {  	s26 =	simm.s32 $execute0_lowered;
	[smem:$0x3FD2] =	sst s25  }
0xad: {  	s7 =	sshll.u32 s26, $0x1;
	_ =	strace $0x80000046;
	[dreg:$0x1] =	wrdreg $0xFFFFFFFF  }
0xae: {  	s28 =	simm.s32 $_size_execute0_lowered;
	s6 =	sadd.s32 s6, s7;
	[dreg:$0x0] =	wrdreg $0x0  }
0xaf: {  	s7 =	sshll.u32 s28, $0x1;
	[dreg:$0x2] =	wrdreg s6  }
0xb0: {  	[dreg:$0x3] =	wrdreg s7  }
0xb1: {  	[dreg:$0x4] =	wrdreg $0xC0  }
0xb2: {  	_ =	task [dreg:s10], $0x5FFFF  }
0xb3: {  	[dreg:$0x1] =	wrdreg $0xFFFFFFFF  }
0xb4: {  	[dreg:$0x0] =	wrdreg $0x60  }
0xb5: {  	[dreg:$0x2] =	wrdreg s4  }
0xb6: {  	[dreg:$0x3] =	wrdreg s16  }
0xb7: {  	[dreg:$0x4] =	wrdreg s18  }
0xb8: {  	[dreg:$0x5] =	wrdreg s17  }
0xb9: {  	[dreg:$0x6] =	wrdreg $0x9  }
0xba: {  	_ =	task.clear_ibuf [dreg:s10], $0x7FFFF;
	_ =	strace $0x90000046  }
0xbb: {  	s29 =	simm.s32 $0x9;
	_ =	strace $0x80000048  }
0xbc: {  	_ =	swait.ge [sflag:s29], $0x1  }
0xbd: {  	[sflag:s29] =	ssyncadd.s32 $0xFFFFFFFF  }
0xbe: {  	_ =	strace $0x90000048  }
0xbf: {  	_ =	sfence  }
0xc0: {  	s30 =	sld [smem:$0x0];
	_ =	sdelay $0x2  }
0xc1: {  	s31 =	sshll.u32 s1, $0xD;
	s1 =	sshrl.u32 s1, $0x2  }
0xc2: {  	s3 =	sand.u32 $0x4000, s31;
	s1 =	sadd.s32 s1, s30  }
0xc3: {  	s0 =	sor.u32 s3, s0;
	s1 =	sshll.u32 s1, $0x11  }
0xc4: {  	s0 =	sor.u32 s1, s0  }
0xc5: {  	s0 =	sadd.s32 $0x8F2B, s0  }
0xc6: {  	[sflag:s0] =	ssyncadd.remote.s32 $0x1  }
0xc7: {  	_ =	sfence.sel $0xFFFF  }
0xc8: {  	[dreg:$0x0] =	wrdreg $0xFFFFFFFF;
	(pc) =	sbr.abs _section_cstart, $3  }
0xc9: {  	[dreg:$0x1] =	wrdreg $0xFFFFFFFF  }
0xca: {  	_ =	task.clear_ibuf [dreg:s10], $0x2FFFF;
	_ =	strace $0x9FFFFFFF  }
0xcb: {  	(tm) =	ssettm $0x7FFFFFFF  }
tec
execute0_lowered:
.L_overlay_start_1:
0x0: {  	(tag) =	ssettag $0x1  }
0x1: {  	s1 =	rddreg [dreg:$0x0]  }
0x2: {  	s2 =	rddreg [dreg:$0x1]  }
0x3: {  	s0 =	rddreg [dreg:$0x2]  }
0x4: {  	s4 =	rddreg [dreg:$0x3]  }
0x5: {  	s3 =	srdreg.scid;
	s9 =	stileid.u32;
	s5 =	simm.s32 $0x0  }
0x6: {  	s28 =	simm.s32 $0x1C700;
	s29 =	simm.s32 $0x0;
	s3 =	sand.u32 $0x1, s3  }
0x7: {  	s6 =	sshll.u32 s9, $0x1;
	[smem:$0x7FF] =	sst s5;
	s9 =	sshll.u32 s9, $0xC  }
0x8: {  	s7 =	ssub.s32 $0x2, s3;
	s3 =	sor.u32 s3, s6;
	_ =	strace $0x80000047  }
0x9: {  	s18 =	sshrl.u32 s7, $0x1;
	s8 =	sshll.u32 s3, $0x4;
	s6 =	smul.u32 $0x1A, s3  }
0xa: {  	s7 =	ssub.s32 s7, s18;
	s10 =	sor.u32 s8, s9;
	s19 =	sand.u32 $0x70, s8  }
0xb: {  	s20 =	sand.u32 $0xC070, s10;
	s7 =	smax.u32 s7, $0x1;
	s3 =	sor.u32 s19, s9  }
0xc: {  	s10 =	sadd.s32 s0, s20;
	[dreg:$0x6] =	wrdreg s7;
	s21 =	sor.u32 $0x800, s20  }
0xd: {  	s22 =	sadd.s32 s4, s20;
	s24 =	sor.u32 $0x1000, s20;
	s25 =	sor.u32 $0x1800, s20  }
0xe: {  	s26 =	sor.u32 $0x2000, s20;
	s30 =	sor.u32 $0x2800, s20;
	[dreg:$0x5] =	wrdreg s10  }
0xf: {  	s31 =	sor.u32 $0x3000, s3;
	s3 =	sor.u32 $0x3800, s3;
	[dreg:$0x7] =	wrdreg s22  }
0x10: {  	s23 =	sadd.s32 s0, s21;
	s11 =	sadd.s32 s4, s21;
	s12 =	sadd.s32 s0, s24  }
0x11: {  	s13 =	sadd.s32 s4, s24;
	s14 =	sadd.s32 s0, s25;
	s15 =	sadd.s32 s4, s25  }
0x12: {  	s16 =	sadd.s32 s0, s26;
	s17 =	sadd.s32 s4, s26;
	s18 =	sadd.s32 s0, s30  }
0x13: {  	s19 =	sadd.s32 s4, s30;
	s20 =	sadd.s32 s0, s31;
	s21 =	sadd.s32 s4, s31  }
0x14: {  	s22 =	sadd.s32 s0, s3;
	s24 =	simm.s32 $0x80;
	s25 =	simm.s32 $0x400  }
0x15: {  	s26 =	simm.s32 $0x1;
	[dreg:$0x8] =	wrdreg s23;
	s23 =	sadd.s32 s4, s3  }
.LBB2_1:
0x16: {  	s31 =	simm.s32 $0xFFFFFFFF;
	s30 =	simm.s32 $0x0  }
.LBB2_2:
0x17: {  	s3 =	sadd.s32 s6, s30  }
0x18: {  	s0 =	smov.u32 s31;
	s31 =	sshrl.u32 s3, $0x5;
	s7 =	sshrl.u32 s3, $0x3  }
0x19: {  	s7 =	sand.u32 $0x3, s7;
	s8 =	smul.u32 $0x30E000, s31  }
0x1a: {  	s9 =	smul.u32 $0xC3800, s7  }
0x1b: {  	s3 =	sshll.u32 s3, $0x7  }
0x1c: {  	s3 =	sand.u32 $0x380, s3;
	s8 =	sadd.s32 s8, s9  }
0x1d: {  	p0 =	seq.s32 s31, s0;
	s8 =	sor.u32 s3, s8  }
0x1e: {  	s0 =	sshll.u32 @!p0 s31, $0x4;
	s8 =	sshrl.u32 s8, $0x3  }
0x1f: {  	s10 =	simm.s32 @!p0 $0x18700;
	s0 =	sand.u32 @!p0 $0x70, s0;
	s8 =	sadd.s32 s1, s8  }
0x20: {  	[tilespmem:s5], [sflag:$0x1] =	stream.strided.gather [hbm4b:s8+s24], $0x18700, s25, s24, $0x38;
	[tilespmem:$0x1CF00] =	vst v63  }
0x21: {  	s0 =	sadd.s32 @!p0 s2, s0;
	s8 =	sshll.u32 @!p0 s31, $0xB;
	_ =	swait.ge [sflag:s26], $0x18700  }
0x22: {  	s9 =	simm.s32 @!p0 $0x400;
	s8 =	sand.u32 @!p0 $0xFFFC000, s8;
	[sflag:s26] =	ssyncset.done $0x0  }
0x23: {  	s0 =	sadd.s32 @!p0 s8, s0;
	s8 =	simm.s32 @!p0 $0x80;
	[sflag:s26] =	ssyncadd.s32 $0xFFFE7900  }
0x24: {  	[tilespmem:s10], [sflag:$0x1] =	stream.strided.gather @!p0 [hbm4b:s0+s8], $0x4000, s9, s8, $0x38;
	[tilespmem:$0x1CF00] =	vst v63  }
0x25: {  	s7 =	sshll.u32 s7, $0x11;
	s0 =	simm.s32 @!p0 $0x1;
	s9 =	sshll.u32 s31, $0x13  }
0x26: {  	_ =	swait.ge @!p0 [sflag:s0], $0x4000;
	s7 =	sor.u32 s7, s9  }
0x27: {  	[sflag:s0] =	ssyncset.done @!p0 $0x0;
	s10 =	sor.u32 s3, s7;
	s3 =	simm.s32 $0x0  }
0x28: {  	s7 =	simm.s32 $0x18740;
	[sflag:s0] =	ssyncadd.s32 @!p0 $0xFFFFC000;
	s0 =	sadd.s32 $0x80000, s10  }
.LBB2_3:
0x29: {  	v0 =	vld [tilespmem:s7+$0x30]  }
0x2a: {  	v1 =	vld [tilespmem:s7+$0xFFFFFFD0]  }
0x2b: {  	v2 =	vld [tilespmem:s7+$0xFFFFFFE0]  }
0x2c: {  	v3 =	vld [tilespmem:s7+$0xFFFFFFF0]  }
0x2d: {  	v6 =	vld [tilespmem:s7+$0x0]  }
0x2e: {  	v7 =	vld [tilespmem:s7+$0x10]  }
0x2f: {  	v8 =	vld [tilespmem:s7+$0x20]  }
0x30: {  	v9 =	vld [tilespmem:s7+$0xFFFFFFC0]  }
0x31: {  	v10 =	vld.idx.msk [tilespmem:v0+s5+$0x0], $0xffff  }
0x32: {  	v11 =	vld.idx.msk [tilespmem:v1+s5+$0x0], $0xffff  }
0x33: {  	v5 =	vld.idx.msk [tilespmem:v2+s5+$0x0], $0xffff  }
0x34: {  	v4 =	vld.idx.msk [tilespmem:v3+s5+$0x0], $0xffff  }
0x35: {  	v3 =	vld.idx.msk [tilespmem:v6+s5+$0x0], $0xffff  }
0x36: {  	s8 =	simm.s32 $0x1C740;
	v1 =	vld.idx.msk [tilespmem:v7+s5+$0x0], $0xffff  }
0x37: {  	v0 =	vld.idx.msk [tilespmem:v8+s5+$0x0], $0xffff;
	[tilespmem:s8+$0x30] =	vst v10  }
0x38: {  	s9 =	simm.s32 $0x0;
	s10 =	sadd.s32 $0x80, s7;
	v2 =	vld.idx.msk [tilespmem:v9+s5+$0x0], $0xffff;
	[tilespmem:s8+$0xFFFFFFD0] =	vst v11  }
.LBB2_4:
0x39: {  	v6 =	vld [tilespmem:s10+$0x30];
	s9 =	sadd.s32 $0x8, s9;
	[tilespmem:s8+$0xFFFFFFE0] =	vst v5  }
0x3a: {  	v5 =	vld [tilespmem:s10+$0xFFFFFFD0];
	p0 =	slt.u32 s9, $0x78;
	[tilespmem:s8+$0xFFFFFFF0] =	vst v4  }
0x3b: {  	v4 =	vld [tilespmem:s10+$0xFFFFFFE0];
	[tilespmem:s8+$0x0] =	vst v3  }
0x3c: {  	v3 =	vld [tilespmem:s10+$0xFFFFFFF0];
	[tilespmem:s8+$0x10] =	vst v1  }
0x3d: {  	v1 =	vld [tilespmem:s10+$0x0];
	[tilespmem:s8+$0x20] =	vst v0  }
0x3e: {  	v0 =	vld [tilespmem:s10+$0x10];
	[tilespmem:s8+$0xFFFFFFC0] =	vst v2  }
0x3f: {  	v2 =	vld [tilespmem:s10+$0x20]  }
0x40: {  	v7 =	vld [tilespmem:s10+$0xFFFFFFC0]  }
0x41: {  	v6 =	vld.idx.msk [tilespmem:v6+s5+$0x0], $0xffff  }
0x42: {  	v8 =	vld.idx.msk [tilespmem:v5+s5+$0x0], $0xffff  }
0x43: {  	v5 =	vld.idx.msk [tilespmem:v4+s5+$0x0], $0xffff  }
.Ltmp0:
0x44: {  	v4 =	vld.idx.msk [tilespmem:v3+s5+$0x0], $0xffff;
	(pc) =	sbr.rel @p0 .LBB2_4-.Ltmp0, $4  }
0x45: {  	v3 =	vld.idx.msk [tilespmem:v1+s5+$0x0], $0xffff  }
0x46: {  	s8 =	sadd.s32 $0x80, s8;
	v1 =	vld.idx.msk [tilespmem:v0+s5+$0x0], $0xffff  }
0x47: {  	v0 =	vld.idx.msk [tilespmem:v2+s5+$0x0], $0xffff;
	[tilespmem:s8+$0x30] =	vst v6  }
0x48: {  	s10 =	sadd.s32 $0x80, s10;
	v2 =	vld.idx.msk [tilespmem:v7+s5+$0x0], $0xffff;
	[tilespmem:s8+$0xFFFFFFD0] =	vst v8  }
0x49: {  	[tilespmem:s8+$0xFFFFFFE0] =	vst v5  }
0x4a: {  	[tilespmem:s8+$0xFFFFFFF0] =	vst v4  }
0x4b: {  	s9 =	sshll.u32 s3, $0xE;
	[tilespmem:s8+$0x0] =	vst v3  }
0x4c: {  	s3 =	sadd.s32 $0x1, s3;
	s9 =	sadd.s32 s0, s9;
	[tilespmem:s8+$0x10] =	vst v1  }
0x4d: {  	p0 =	sne.s32 s3, $0x8;
	s9 =	sshrl.u32 s9, $0x3;
	[tilespmem:s8+$0x20] =	vst v0  }
.Ltmp1:
0x4e: {  	s10 =	sadd.s32 s4, s9;
	[tilespmem:s8+$0xFFFFFFC0] =	vst v2;
	(pc) =	sbr.rel @p0 .LBB2_3-.Ltmp1, $4  }
0x4f: {  	[hbm4b:s10+s24] =	stream.strided.scatter [tilespmem:s28], [sflag:$0x1], $0x800, s25, s24, $0x38;
	[tilespmem:$0x1CF00] =	vst v63  }
0x50: {  	_ =	swait.ge [sflag:s26], $0x800  }
0x51: {  	[sflag:s26] =	ssyncset.done $0x0  }
0x52: {  	s7 =	sadd.s32 $0x800, s7;
	[sflag:s26] =	ssyncadd.s32 $0xFFFFF800  }
0x53: {  	s30 =	sadd.s32 $0x1, s30  }
0x54: {  	p0 =	seq.s32 s30, $0x1A  }
.Ltmp2:
0x55: {  	_ = 	snop;
	(pc) =	sbr.rel @!p0 .LBB2_2-.Ltmp2, $1  }
0x56: {  	_ =	sdelay $0x3  }
0x57: {  	s0 =	rddreg [dreg:$0x5]  }
0x58: {  	[tilespmem:s28], [sflag:$0x1] =	stream.strided.gather [hbm4b:s0+s24], $0x800, s25, s24, $0x38;
	[tilespmem:$0x1CF00] =	vst v63  }
0x59: {  	_ =	swait.ge [sflag:s26], $0x800  }
0x5a: {  	[sflag:s26] =	ssyncset.done $0x0  }
0x5b: {  	s10 =	rddreg [dreg:$0x7];
	[sflag:s26] =	ssyncadd.s32 $0xFFFFF800  }
0x5c: {  	[hbm4b:s10+s24] =	stream.strided.scatter [tilespmem:s28], [sflag:$0x1], $0x800, s25, s24, $0x38;
	[tilespmem:$0x1CF00] =	vst v63  }
0x5d: {  	_ =	swait.ge [sflag:s26], $0x800  }
0x5e: {  	[sflag:s26] =	ssyncset.done $0x0  }
0x5f: {  	s30 =	rddreg [dreg:$0x8];
	[sflag:s26] =	ssyncadd.s32 $0xFFFFF800  }
0x60: {  	[tilespmem:s28], [sflag:$0x1] =	stream.strided.gather [hbm4b:s30+s24], $0x800, s25, s24, $0x38;
	[tilespmem:$0x1CF00] =	vst v63  }
0x61: {  	_ =	swait.ge [sflag:s26], $0x800  }
0x62: {  	[sflag:s26] =	ssyncset.done $0x0  }
0x63: {  	[sflag:s26] =	ssyncadd.s32 $0xFFFFF800  }
0x64: {  	[hbm4b:s11+s24] =	stream.strided.scatter [tilespmem:s28], [sflag:$0x1], $0x800, s25, s24, $0x38;
	[tilespmem:$0x1CF00] =	vst v63  }
0x65: {  	_ =	swait.ge [sflag:s26], $0x800  }
0x66: {  	[sflag:s26] =	ssyncset.done $0x0  }
0x67: {  	[sflag:s26] =	ssyncadd.s32 $0xFFFFF800  }
0x68: {  	[tilespmem:s28], [sflag:$0x1] =	stream.strided.gather [hbm4b:s12+s24], $0x800, s25, s24, $0x38;
	[tilespmem:$0x1CF00] =	vst v63  }
0x69: {  	_ =	swait.ge [sflag:s26], $0x800  }
0x6a: {  	[sflag:s26] =	ssyncset.done $0x0  }
0x6b: {  	[sflag:s26] =	ssyncadd.s32 $0xFFFFF800  }
0x6c: {  	[hbm4b:s13+s24] =	stream.strided.scatter [tilespmem:s28], [sflag:$0x1], $0x800, s25, s24, $0x38;
	[tilespmem:$0x1CF00] =	vst v63  }
0x6d: {  	_ =	swait.ge [sflag:s26], $0x800  }
0x6e: {  	[sflag:s26] =	ssyncset.done $0x0  }
0x6f: {  	[sflag:s26] =	ssyncadd.s32 $0xFFFFF800  }
0x70: {  	[tilespmem:s28], [sflag:$0x1] =	stream.strided.gather [hbm4b:s14+s24], $0x800, s25, s24, $0x38;
	[tilespmem:$0x1CF00] =	vst v63  }
0x71: {  	_ =	swait.ge [sflag:s26], $0x800  }
0x72: {  	[sflag:s26] =	ssyncset.done $0x0  }
0x73: {  	[sflag:s26] =	ssyncadd.s32 $0xFFFFF800  }
0x74: {  	[hbm4b:s15+s24] =	stream.strided.scatter [tilespmem:s28], [sflag:$0x1], $0x800, s25, s24, $0x38;
	[tilespmem:$0x1CF00] =	vst v63  }
0x75: {  	_ =	swait.ge [sflag:s26], $0x800  }
0x76: {  	[sflag:s26] =	ssyncset.done $0x0  }
0x77: {  	[sflag:s26] =	ssyncadd.s32 $0xFFFFF800  }
0x78: {  	[tilespmem:s28], [sflag:$0x1] =	stream.strided.gather [hbm4b:s16+s24], $0x800, s25, s24, $0x38;
	[tilespmem:$0x1CF00] =	vst v63  }
0x79: {  	_ =	swait.ge [sflag:s26], $0x800  }
0x7a: {  	[sflag:s26] =	ssyncset.done $0x0  }
0x7b: {  	[sflag:s26] =	ssyncadd.s32 $0xFFFFF800  }
0x7c: {  	[hbm4b:s17+s24] =	stream.strided.scatter [tilespmem:s28], [sflag:$0x1], $0x800, s25, s24, $0x38;
	[tilespmem:$0x1CF00] =	vst v63  }
0x7d: {  	_ =	swait.ge [sflag:s26], $0x800  }
0x7e: {  	[sflag:s26] =	ssyncset.done $0x0  }
0x7f: {  	[sflag:s26] =	ssyncadd.s32 $0xFFFFF800  }
0x80: {  	[tilespmem:s28], [sflag:$0x1] =	stream.strided.gather [hbm4b:s18+s24], $0x800, s25, s24, $0x38;
	[tilespmem:$0x1CF00] =	vst v63  }
0x81: {  	_ =	swait.ge [sflag:s26], $0x800  }
0x82: {  	[sflag:s26] =	ssyncset.done $0x0  }
0x83: {  	[sflag:s26] =	ssyncadd.s32 $0xFFFFF800  }
0x84: {  	[hbm4b:s19+s24] =	stream.strided.scatter [tilespmem:s28], [sflag:$0x1], $0x800, s25, s24, $0x38;
	[tilespmem:$0x1CF00] =	vst v63  }
0x85: {  	_ =	swait.ge [sflag:s26], $0x800  }
0x86: {  	[sflag:s26] =	ssyncset.done $0x0  }
0x87: {  	[sflag:s26] =	ssyncadd.s32 $0xFFFFF800  }
0x88: {  	[tilespmem:s28], [sflag:$0x1] =	stream.strided.gather [hbm4b:s20+s24], $0x800, s25, s24, $0x38;
	[tilespmem:$0x1CF00] =	vst v63  }
0x89: {  	_ =	swait.ge [sflag:s26], $0x800  }
0x8a: {  	[sflag:s26] =	ssyncset.done $0x0  }
0x8b: {  	[sflag:s26] =	ssyncadd.s32 $0xFFFFF800  }
0x8c: {  	[hbm4b:s21+s24] =	stream.strided.scatter [tilespmem:s28], [sflag:$0x1], $0x800, s25, s24, $0x38;
	[tilespmem:$0x1CF00] =	vst v63  }
0x8d: {  	_ =	swait.ge [sflag:s26], $0x800  }
0x8e: {  	[sflag:s26] =	ssyncset.done $0x0  }
0x8f: {  	[sflag:s26] =	ssyncadd.s32 $0xFFFFF800  }
0x90: {  	[tilespmem:s28], [sflag:$0x1] =	stream.strided.gather [hbm4b:s22+s24], $0x800, s25, s24, $0x38;
	[tilespmem:$0x1CF00] =	vst v63  }
0x91: {  	_ =	swait.ge [sflag:s26], $0x800  }
0x92: {  	[sflag:s26] =	ssyncset.done $0x0  }
0x93: {  	[sflag:s26] =	ssyncadd.s32 $0xFFFFF800  }
0x94: {  	[hbm4b:s23+s24] =	stream.strided.scatter [tilespmem:s28], [sflag:$0x1], $0x800, s25, s24, $0x38;
	[tilespmem:$0x1CF00] =	vst v63  }
0x95: {  	_ =	swait.ge [sflag:s26], $0x800  }
0x96: {  	s29 =	sadd.s32 $0x1, s29;
	s31 =	rddreg [dreg:$0x6]  }
0x97: {  	p0 =	seq.s32 s29, s31  }
.Ltmp3:
0x98: {  	_ = 	snop;
	(pc) =	sbr.rel @!p0 .LBB2_1-.Ltmp3, $3  }
0x99: {  	_ =	sdelay $0x1  }
0x9a: {  	[sflag:s26] =	ssyncset.done $0x0  }
0x9b: {  	[sflag:s26] =	ssyncadd.s32 $0xFFFFF800  }
0x9c: {  	_ =	sfence.sel $0x180000  }
0x9d: {  	[bflag:$0x0] =	sbarrier.arrive $0xFFFF  }
0x9e: {  	_ =	strace $0x90000047  }
0x9f: {  	s0 =	stileid.u32;
	[bflag:$0x2] =	sbarrier.arrive $0xFFFF  }
0xa0: {  	p0 =	sne.s32 s0, $0x0;
	s0 =	rddreg [dreg:$0x4]  }
0xa1: {  	s0 =	sadd.s32 @!p0 $0x100000, s0  }
0xa2: {  	[sflag:s0] =	ssyncadd.tile.s32 @!p0 $0x1;
	_ =	shalt  }
.Lfunc_end2:
_tile_overlayer_lowered:
.L_overlay_start_2:
0xa3: {  	(tag) =	ssettag $0x2  }
0xa4: {  	s0 =	rddreg [dreg:$0x0];
	s2 =	stileid.u32  }
0xa5: {  	s1 =	rddreg [dreg:$0x1];
	p0 =	sne.s32 s2, $0x0  }
0xa6: {  	s3 =	rddreg [dreg:$0x2];
	[bflag:$0x3] =	sbarrier.arrive $0xFFFF;
	s2 =	simm.s32 @!p0 $0x1C01  }
0xa7: {  	[timem:s3], [sflag:s2] =	dma.local @!p0 [hbm:s0], s1  }
0xa8: {  	s0 =	simm.s32 @!p0 $0x1  }
0xa9: {  	_ =	swait.ge @!p0 [sflag:s0], s1  }
0xaa: {  	s1 =	ssub.s32 @!p0 $0x0, s1;
	[sflag:s0] =	ssyncset.done @!p0 $0x0  }
0xab: {  	[sflag:s0] =	ssyncadd.s32 @!p0 s1  }
0xac: {  	[bflag:$0x3] =	sbarrier.arrive $0xFFFF  }
0xad: {  	_ =	shalt  }

</sc_bundles>
